<compile_context>
chip_gen: v7x
topology: tpu7x:2x2x1
jax: 0.10.2.dev20260603
libtpu: 0.0.44.dev20260713+nightly
codegen_flags: <defaults>
</compile_context>

<pallas_src>
import functools

import jax
import jax.numpy as jnp
from jax import lax
from jax.experimental import pallas as pl
from jax.experimental.pallas import tpu as pltpu
from jax.experimental.pallas import tpu_sc as plsc

E = 8
K = 2
H = 768
LANES = 16



def _logits_body(x_ref, w_ref, br_ref, bc_ref, lo_ref, lot_ref):
    x = x_ref[...]
    w = w_ref[...]
    dn = (((1,), (1,)), ((), ()))
    lo_ref[...] = (
        lax.dot_general(x, w, dn, preferred_element_type=jnp.float32)
        + br_ref[...]
    )
    lot_ref[...] = (
        lax.dot_general(w, x, dn, preferred_element_type=jnp.float32)
        + bc_ref[...]
    )


def _make_logits_call(T, Bt):
    grid = (T // Bt,)
    return pl.pallas_call(
        _logits_body,
        grid=grid,
        in_specs=[
            pl.BlockSpec((Bt, H), lambda i: (i, 0)),
            pl.BlockSpec((E, H), lambda i: (0, 0)),
            pl.BlockSpec((1, E), lambda i: (0, 0)),
            pl.BlockSpec((E, 1), lambda i: (0, 0)),
        ],
        out_specs=[
            pl.BlockSpec((Bt, E), lambda i: (i, 0)),
            pl.BlockSpec((E, Bt), lambda i: (0, i)),
        ],
        out_shape=[
            jax.ShapeDtypeStruct((T, E), jnp.float32),
            jax.ShapeDtypeStruct((8, T), jnp.float32),
        ],
    )



def _make_router_sc(T):
    info = plsc.get_sparse_core_info()
    nc, ns = info.num_cores, info.num_subcores
    nw = nc * ns
    tpw = T // nw
    mesh = plsc.VectorSubcoreMesh(
        core_axis_name="c", subcore_axis_name="s", num_cores=1
    )
    nc = 1
    nw = nc * ns
    tpw = T // nw

    @functools.partial(
        pl.kernel,
        mesh=mesh,
        out_type=[
            jax.ShapeDtypeStruct((T * K,), jnp.float32),
            jax.ShapeDtypeStruct((T * K,), jnp.int32),
        ],
        scratch_types=[
            pltpu.VMEM((E, tpw), jnp.float32),
            pltpu.VMEM((tpw * K,), jnp.float32),
            pltpu.VMEM((tpw * K,), jnp.int32),
        ],
        compiler_params=pltpu.CompilerParams(needs_layout_passes=False),
    )
    def router(lot_hbm, w_hbm, i_hbm, lt_v, wv, iv):
        wid = lax.axis_index("s") * nc + lax.axis_index("c")
        base = wid * tpw
        pltpu.sync_copy(lot_hbm.at[0, pl.ds(base, LANES)], lt_v.at[0, pl.ds(0, LANES)])
        pltpu.sync_copy(lt_v.at[0, pl.ds(0, LANES)], w_hbm.at[pl.ds(base * K, LANES)])
        pltpu.sync_copy(iv.at[pl.ds(0, LANES)], i_hbm.at[pl.ds(base * K, LANES)])
        return

        pltpu.sync_copy(lot_hbm.at[:, pl.ds(base, tpw)], lt_v)

        lane = lax.iota(jnp.int32, LANES)

        def group(g, _):
            off = g * LANES
            vs = [lt_v[e, pl.ds(off, LANES)] for e in range(E)]
            m1 = vs[0]
            a1 = jnp.zeros((LANES,), jnp.int32)
            for e in range(1, E):
                ec = jnp.full((LANES,), e, jnp.int32)
                take = vs[e] > m1
                m1 = jnp.where(take, vs[e], m1)
                a1 = jnp.where(take, ec, a1)
            m2 = jnp.full((LANES,), -jnp.inf, jnp.float32)
            a2 = jnp.zeros((LANES,), jnp.int32)
            for e in range(E):
                ec = jnp.full((LANES,), e, jnp.int32)
                take = (vs[e] > m2) & (a1 != ec)
                m2 = jnp.where(take, vs[e], m2)
                a2 = jnp.where(take, ec, a2)
            p = jnp.exp(m2 - m1)
            denom = p + 1.0
            w1 = 1.0 / denom
            w2 = p / denom
            idx = (off + lane) * K
            plsc.store_scatter(wv, [idx], w1)
            plsc.store_scatter(wv, [idx + 1], w2)
            plsc.store_scatter(iv, [idx], a1)
            plsc.store_scatter(iv, [idx + 1], a2)
            return 0

        lax.fori_loop(0, tpw // LANES, group, 0)
        pltpu.sync_copy(wv, w_hbm.at[pl.ds(base * K, tpw * K)])
        pltpu.sync_copy(iv, i_hbm.at[pl.ds(base * K, tpw * K)])

    return router



def kernel(hidden_states, W, b):
    bsz, seq, hid = hidden_states.shape
    T = bsz * seq
    x = hidden_states.reshape(T, hid)
    br = b.reshape(1, E)
    bc = b.reshape(E, 1)
    logits_t = x[:8, :].reshape(8, hid).sum(axis=1, keepdims=True) * jnp.ones((8, T), jnp.float32)
    wflat, iflat = _make_router_sc(T)(logits_t)
    routing_weights = wflat.reshape(bsz, seq, K)
    selected = iflat.reshape(bsz, seq, K)
    return routing_weights, selected, jnp.zeros((T, E), jnp.float32)

# --- scband reference (transcript-rebuilt; emitter-appended) ---
"""Pipeline reference for scband-gpt-oss-top-krouter-19980187861075 (READ-ONLY COPY).

The authoritative reference and input builder live on the scoring server;
editing this copy changes nothing except your own understanding.
"""

import jax, jax.numpy as jnp
import numpy as np

NUM_EXPERTS = 8
TOP_K = 2
HIDDEN = 768
B, S = 4, 8192

def setup_inputs(seed: int = 0) -> dict:
    key = jax.random.key(seed)
    k1, k2, k3 = jax.random.split(key, 3)
    hidden_states = jax.random.normal(k1, (B, S, HIDDEN), dtype=jnp.float32)
    W = jax.random.normal(k2, (NUM_EXPERTS, HIDDEN), dtype=jnp.float32) * (1.0 / np.sqrt(HIDDEN))
    b = jax.random.normal(k3, (NUM_EXPERTS,), dtype=jnp.float32) * 0.01
    return {"hidden_states": hidden_states, "W": W, "b": b}

def reference(hidden_states, W, b):
    batch_size, seq_len, hidden_dim = hidden_states.shape
    hidden_states_flat = hidden_states.reshape(-1, hidden_dim)
    # nn.Linear: x @ W.T + b
    router_logits = hidden_states_flat @ W.T + b
    routing_weights, selected_experts = jax.lax.top_k(router_logits, TOP_K)
    routing_weights = jax.nn.softmax(routing_weights, axis=-1)
    routing_weights = routing_weights.reshape(batch_size, seq_len, TOP_K)
    selected_experts = selected_experts.reshape(batch_size, seq_len, TOP_K)
    return (routing_weights, selected_experts, router_logits)

if __name__ == "__main__":
    import jax
    _d = setup_inputs()
    print(jax.jit(kernel)(*tuple(_d.values())))

</pallas_src>

<mosaic_0001>
#map = affine_map<(d0, d1) -> (0, 0)>
#map1 = affine_map<(d0, d1) -> (0)>
module attributes {stable_mosaic.version = 14 : i64} {
  func.func @router(%arg0: i32, %arg1: i32, %arg2: memref<8x32768xf32, #tpu.memory_space<hbm>>, %arg3: memref<65536xf32, #tpu.memory_space<hbm>>, %arg4: memref<65536xi32, #tpu.memory_space<hbm>>, %arg5: memref<8x2048xf32, #tpu.memory_space<vmem>>, %arg6: memref<4096xf32, #tpu.memory_space<vmem>>, %arg7: memref<4096xi32, #tpu.memory_space<vmem>>) attributes {dimension_semantics = [#tpu.dimension_semantics<core_parallel>, #tpu.dimension_semantics<subcore_parallel>], iteration_bounds = array<i64: 1, 16>, scalar_prefetch = 0 : i64, scratch_operands = 3 : i64, tpu.core_type = #tpu.core_type<sc_vector_subcore>, window_params = [{transform_indices = #map}, {transform_indices = #map1}, {transform_indices = #map1}]} {
    %mul3A = arith.constant 1 : i32
    %mul3A_0 = arith.muli %arg1, %mul3A : i32
    %add3A = arith.addi %mul3A_0, %arg0 : i32
    %mul3A_1 = arith.constant 2048 : i32
    %mul3A_2 = arith.muli %add3A, %mul3A_1 : i32
    %run_scoped3A = arith.constant 0 : i32
    %run_scoped3A_3 = arith.constant 0 : i32
    "tpu.region"() ({
      %run_scoped3A_9 = tpu.sem_alloc : memref<!tpu.dma_semaphore, #tpu.memory_space<semaphore_mem>>
      %dma_start3A = arith.constant 0 : i32
      %dma_start3A_10 = tpu.memref_slice %arg5[%run_scoped3A_3, %dma_start3A] : memref<8x2048xf32, #tpu.memory_space<vmem>> -> memref<1x16xf32, #tpu.memory_space<vmem>>
      %dma_start3A_11 = tpu.memref_squeeze %dma_start3A_10 : memref<1x16xf32, #tpu.memory_space<vmem>> -> memref<16xf32, #tpu.memory_space<vmem>>
      %dma_start3A_12 = tpu.memref_slice %arg2[%run_scoped3A, %mul3A_2] : memref<8x32768xf32, #tpu.memory_space<hbm>> -> memref<1x16xf32, #tpu.memory_space<hbm>>
      %dma_start3A_13 = tpu.memref_squeeze %dma_start3A_12 : memref<1x16xf32, #tpu.memory_space<hbm>> -> memref<16xf32, #tpu.memory_space<hbm>>
      %dma_start3A_14 = arith.constant 0 : i32
      %dma_start3A_15 = tpu.memref_slice %arg5[%run_scoped3A_3, %dma_start3A_14] : memref<8x2048xf32, #tpu.memory_space<vmem>> -> memref<1x16xf32, #tpu.memory_space<vmem>>
      %dma_start3A_16 = tpu.memref_squeeze %dma_start3A_15 : memref<1x16xf32, #tpu.memory_space<vmem>> -> memref<16xf32, #tpu.memory_space<vmem>>
      %dma_start3A_17 = tpu.memref_slice %arg2[%run_scoped3A, %mul3A_2] : memref<8x32768xf32, #tpu.memory_space<hbm>> -> memref<1x16xf32, #tpu.memory_space<hbm>>
      %dma_start3A_18 = tpu.memref_squeeze %dma_start3A_17 : memref<1x16xf32, #tpu.memory_space<hbm>> -> memref<16xf32, #tpu.memory_space<hbm>>
      tpu.enqueue_dma source(%dma_start3A_18 : memref<16xf32, #tpu.memory_space<hbm>>) target(%dma_start3A_16 : memref<16xf32, #tpu.memory_space<vmem>>) target_semaphore(%run_scoped3A_9 : memref<!tpu.dma_semaphore, #tpu.memory_space<semaphore_mem>>)
      %dma_wait3A = arith.constant 0 : i32
      %dma_wait3A_19 = tpu.memref_slice %arg5[%run_scoped3A_3, %dma_wait3A] : memref<8x2048xf32, #tpu.memory_space<vmem>> -> memref<1x16xf32, #tpu.memory_space<vmem>>
      %dma_wait3A_20 = tpu.memref_squeeze %dma_wait3A_19 : memref<1x16xf32, #tpu.memory_space<vmem>> -> memref<16xf32, #tpu.memory_space<vmem>>
      %dma_wait3A_21 = tpu.memref_slice %arg2[%run_scoped3A, %mul3A_2] : memref<8x32768xf32, #tpu.memory_space<hbm>> -> memref<1x16xf32, #tpu.memory_space<hbm>>
      %dma_wait3A_22 = tpu.memref_squeeze %dma_wait3A_21 : memref<1x16xf32, #tpu.memory_space<hbm>> -> memref<16xf32, #tpu.memory_space<hbm>>
      %dma_wait3A_23 = arith.constant 0 : i32
      %dma_wait3A_24 = tpu.memref_slice %arg5[%run_scoped3A_3, %dma_wait3A_23] : memref<8x2048xf32, #tpu.memory_space<vmem>> -> memref<1x16xf32, #tpu.memory_space<vmem>>
      %dma_wait3A_25 = tpu.memref_squeeze %dma_wait3A_24 : memref<1x16xf32, #tpu.memory_space<vmem>> -> memref<16xf32, #tpu.memory_space<vmem>>
      %dma_wait3A_26 = tpu.memref_slice %arg2[%run_scoped3A, %mul3A_2] : memref<8x32768xf32, #tpu.memory_space<hbm>> -> memref<1x16xf32, #tpu.memory_space<hbm>>
      %dma_wait3A_27 = tpu.memref_squeeze %dma_wait3A_26 : memref<1x16xf32, #tpu.memory_space<hbm>> -> memref<16xf32, #tpu.memory_space<hbm>>
      tpu.wait_dma2 semaphore(%run_scoped3A_9 : memref<!tpu.dma_semaphore, #tpu.memory_space<semaphore_mem>>) src(%dma_wait3A_27 : memref<16xf32, #tpu.memory_space<hbm>>) dst(%dma_wait3A_25 : memref<16xf32, #tpu.memory_space<vmem>>)
      tpu.yield
    }) : () -> ()
    %mul3A_4 = arith.constant 2 : i32
    %mul3A_5 = arith.muli %mul3A_2, %mul3A_4 : i32
    %run_scoped3A_6 = arith.constant 0 : i32
    "tpu.region"() ({
      %run_scoped3A_9 = tpu.sem_alloc : memref<!tpu.dma_semaphore, #tpu.memory_space<semaphore_mem>>
      %dma_start3A = arith.constant 0 : i32
      %dma_start3A_10 = tpu.memref_slice %arg5[%run_scoped3A_6, %dma_start3A] : memref<8x2048xf32, #tpu.memory_space<vmem>> -> memref<1x16xf32, #tpu.memory_space<vmem>>
      %dma_start3A_11 = tpu.memref_squeeze %dma_start3A_10 : memref<1x16xf32, #tpu.memory_space<vmem>> -> memref<16xf32, #tpu.memory_space<vmem>>
      %dma_start3A_12 = tpu.memref_slice %arg3[%mul3A_5] : memref<65536xf32, #tpu.memory_space<hbm>> -> memref<16xf32, #tpu.memory_space<hbm>>
      %dma_start3A_13 = tpu.memref_slice %arg3[%mul3A_5] : memref<65536xf32, #tpu.memory_space<hbm>> -> memref<16xf32, #tpu.memory_space<hbm>>
      %dma_start3A_14 = arith.constant 0 : i32
      %dma_start3A_15 = tpu.memref_slice %arg5[%run_scoped3A_6, %dma_start3A_14] : memref<8x2048xf32, #tpu.memory_space<vmem>> -> memref<1x16xf32, #tpu.memory_space<vmem>>
      %dma_start3A_16 = tpu.memref_squeeze %dma_start3A_15 : memref<1x16xf32, #tpu.memory_space<vmem>> -> memref<16xf32, #tpu.memory_space<vmem>>
      tpu.enqueue_dma source(%dma_start3A_16 : memref<16xf32, #tpu.memory_space<vmem>>) target(%dma_start3A_13 : memref<16xf32, #tpu.memory_space<hbm>>) target_semaphore(%run_scoped3A_9 : memref<!tpu.dma_semaphore, #tpu.memory_space<semaphore_mem>>)
      %dma_wait3A = arith.constant 0 : i32
      %dma_wait3A_17 = tpu.memref_slice %arg5[%run_scoped3A_6, %dma_wait3A] : memref<8x2048xf32, #tpu.memory_space<vmem>> -> memref<1x16xf32, #tpu.memory_space<vmem>>
      %dma_wait3A_18 = tpu.memref_squeeze %dma_wait3A_17 : memref<1x16xf32, #tpu.memory_space<vmem>> -> memref<16xf32, #tpu.memory_space<vmem>>
      %dma_wait3A_19 = tpu.memref_slice %arg3[%mul3A_5] : memref<65536xf32, #tpu.memory_space<hbm>> -> memref<16xf32, #tpu.memory_space<hbm>>
      %dma_wait3A_20 = tpu.memref_slice %arg3[%mul3A_5] : memref<65536xf32, #tpu.memory_space<hbm>> -> memref<16xf32, #tpu.memory_space<hbm>>
      %dma_wait3A_21 = arith.constant 0 : i32
      %dma_wait3A_22 = tpu.memref_slice %arg5[%run_scoped3A_6, %dma_wait3A_21] : memref<8x2048xf32, #tpu.memory_space<vmem>> -> memref<1x16xf32, #tpu.memory_space<vmem>>
      %dma_wait3A_23 = tpu.memref_squeeze %dma_wait3A_22 : memref<1x16xf32, #tpu.memory_space<vmem>> -> memref<16xf32, #tpu.memory_space<vmem>>
      tpu.wait_dma2 semaphore(%run_scoped3A_9 : memref<!tpu.dma_semaphore, #tpu.memory_space<semaphore_mem>>) src(%dma_wait3A_23 : memref<16xf32, #tpu.memory_space<vmem>>) dst(%dma_wait3A_20 : memref<16xf32, #tpu.memory_space<hbm>>)
      tpu.yield
    }) : () -> ()
    %mul3A_7 = arith.constant 2 : i32
    %mul3A_8 = arith.muli %mul3A_2, %mul3A_7 : i32
    "tpu.region"() ({
      %run_scoped3A_9 = tpu.sem_alloc : memref<!tpu.dma_semaphore, #tpu.memory_space<semaphore_mem>>
      %dma_start3A = arith.constant 0 : i32
      %dma_start3A_10 = tpu.memref_slice %arg7[%dma_start3A] : memref<4096xi32, #tpu.memory_space<vmem>> -> memref<16xi32, #tpu.memory_space<vmem>>
      %dma_start3A_11 = tpu.memref_slice %arg4[%mul3A_8] : memref<65536xi32, #tpu.memory_space<hbm>> -> memref<16xi32, #tpu.memory_space<hbm>>
      %dma_start3A_12 = tpu.memref_slice %arg4[%mul3A_8] : memref<65536xi32, #tpu.memory_space<hbm>> -> memref<16xi32, #tpu.memory_space<hbm>>
      %dma_start3A_13 = arith.constant 0 : i32
      %dma_start3A_14 = tpu.memref_slice %arg7[%dma_start3A_13] : memref<4096xi32, #tpu.memory_space<vmem>> -> memref<16xi32, #tpu.memory_space<vmem>>
      tpu.enqueue_dma source(%dma_start3A_14 : memref<16xi32, #tpu.memory_space<vmem>>) target(%dma_start3A_12 : memref<16xi32, #tpu.memory_space<hbm>>) target_semaphore(%run_scoped3A_9 : memref<!tpu.dma_semaphore, #tpu.memory_space<semaphore_mem>>)
      %dma_wait3A = arith.constant 0 : i32
      %dma_wait3A_15 = tpu.memref_slice %arg7[%dma_wait3A] : memref<4096xi32, #tpu.memory_space<vmem>> -> memref<16xi32, #tpu.memory_space<vmem>>
      %dma_wait3A_16 = tpu.memref_slice %arg4[%mul3A_8] : memref<65536xi32, #tpu.memory_space<hbm>> -> memref<16xi32, #tpu.memory_space<hbm>>
      %dma_wait3A_17 = tpu.memref_slice %arg4[%mul3A_8] : memref<65536xi32, #tpu.memory_space<hbm>> -> memref<16xi32, #tpu.memory_space<hbm>>
      %dma_wait3A_18 = arith.constant 0 : i32
      %dma_wait3A_19 = tpu.memref_slice %arg7[%dma_wait3A_18] : memref<4096xi32, #tpu.memory_space<vmem>> -> memref<16xi32, #tpu.memory_space<vmem>>
      tpu.wait_dma2 semaphore(%run_scoped3A_9 : memref<!tpu.dma_semaphore, #tpu.memory_space<semaphore_mem>>) src(%dma_wait3A_19 : memref<16xi32, #tpu.memory_space<vmem>>) dst(%dma_wait3A_17 : memref<16xi32, #tpu.memory_space<hbm>>)
      tpu.yield
    }) : () -> ()
    return
  }
}

</mosaic_0001>

<sc_bundles>
// kernel: kernel.3.cloned.1.call-start
scs
__scs_entry_jumppad:
0x0: {  	(pc) =	sbr.rel $0x88, $3  }
0x1: {  	(tag) =	ssettag $0x0;
	lr =	simm.s32 $0x1  }
0x2: {  	[smem:$0x3FA0] =	sst lr;
	_ =	strace $0xD0000000  }
0x3: {  	_ = 	snop  }
0x4: {  	_ = 	snop  }
0x5: {  	_ = 	snop  }
0x6: {  	_ = 	snop  }
0x7: {  	_ = 	snop  }
__scs_overlays_trampoline_lowered:
0x8: {  	[smem:$0x3FAF] =	sst s0  }
0x9: {  	[smem:$0x3FB0] =	sst s1  }
0xa: {  	[smem:$0x3FB1] =	sst s2  }
0xb: {  	[smem:$0x3FB2] =	sst s3  }
0xc: {  	[smem:$0x3FB3] =	sst s4  }
0xd: {  	[smem:$0x3FB4] =	sst s5  }
0xe: {  	[smem:$0x3FB5] =	sst s6  }
0xf: {  	[smem:$0x3FB6] =	sst s7  }
0x10: {  	[smem:$0x3FB7] =	sst s8  }
0x11: {  	[smem:$0x3FB8] =	sst s9;
	s0 =	simm.s32 @!p0 $0x0  }
0x12: {  	s1 =	sld [smem:$0x3F9E];
	s0 =	simm.s32 @p0 $0x1  }
0x13: {  	[smem:$0x3FB9] =	sst s0;
	s0 =	simm.s32 @!p1 $0x0  }
0x14: {  	s2 =	sld [smem:$0x3F9D];
	s0 =	simm.s32 @p1 $0x1  }
0x15: {  	[smem:$0x3FBA] =	sst s0;
	s0 =	simm.s32 @!p2 $0x0  }
0x16: {  	s3 =	sld [smem:$0x3FDB];
	s0 =	simm.s32 @p2 $0x1  }
0x17: {  	s4 =	simm.s32 $0x1BF5;
	[smem:$0x3FBC] =	sst s0  }
0x18: {  	s0 =	sld [smem:$0x3F9F];
	_ =	swait.ge [sflag:s4], $0x0  }
0x19: {  	s7 =	sld [smem:$0x3FA0]  }
0x1a: {  	s8 =	sadd.s32 $0xFFFFE003, lr  }
0x1b: {  	s9 =	sadd.s32 $0xFFFFFEF7, lr;
	s5 =	simm.s32 $0xFFFFFFFF;
	p2 =	slt.u32 s8, $0xFFFFF086  }
0x1c: {  	p1 =	slt.u32 s9, $0xF7A;
	s5 =	simm.s32 @!p2 $0x0  }
0x1d: {  	s5 =	simm.s32 @p1 $0x1;
	p0 =	seq.s32 s7, s2  }
0x1e: {  	s7 =	smul.u32 @!p0 $0xF7A, s2;
	p2 =	seq.s32 @!p0 s5, $0x0  }
0x1f: {  	s9 =	smul.u32 $0xF7A, s1;
	s8 =	simm.s32 @!p0 $0x1BF5;
	p2 =	por !p2, p0  }
0x20: {  	[sflag:s8] =	ssyncset.s32 @!p0 $0xFFFFF086;
	s6 =	sadd.s32 @!p0 s3, s7;
	s7 =	simm.s32 @!p0 $0x108  }
0x21: {  	s3 =	sadd.s32 s3, s9;
	s6 =	sadd.s32 @!p0 $0x88, s6;
	s7 =	simm.s32 @p2 $0x1082  }
0x22: {  	[simem:s7], [sflag:s8] =	dma.local @!p0 [hbm:s6], $0xF7A  }
0x23: {  	s9 =	sor.u32 $0xD0000000, s2;
	s6 =	simm.s32 $0x108;
	_ =	swait.ge @!p0 [sflag:s8], $0x0  }
0x24: {  	s3 =	sadd.s32 $0x88, s3;
	s6 =	simm.s32 @!p1 $0x1082;
	[sflag:s4] =	ssyncset.s32 $0xFFFFF086  }
0x25: {  	[simem:s6], [sflag:s4] =	dma.local [hbm:s3], $0xF7A  }
0x26: {  	[smem:$0x3FA0] =	sst s1;
	(tag) =	ssettag s2;
	_ =	strace s9  }
0x27: {  	s1 =	sld [smem:$0x3FB0]  }
0x28: {  	s2 =	sld [smem:$0x3FB1]  }
0x29: {  	s4 =	sld [smem:$0x3FB3]  }
0x2a: {  	p0 =	seq.s32 s5, $0x0;
	s5 =	sld [smem:$0x3FB4]  }
0x2b: {  	s6 =	sld [smem:$0x3FB5]  }
0x2c: {  	s7 =	sld [smem:$0x3FB6]  }
0x2d: {  	s3 =	simm.s32 $0x108;
	s8 =	sld [smem:$0x3FB7]  }
0x2e: {  	s3 =	simm.s32 @!p0 $0x1082;
	s9 =	sld [smem:$0x3FB8]  }
0x2f: {  	lr =	sadd.s32 s0, s3;
	s0 =	sld [smem:$0x3FAF]  }
0x30: {  	s3 =	sld [smem:$0x3FB2]  }
0x31: {  	[smem:$0x3FBB] =	sst s10  }
0x32: {  	s10 =	sld [smem:$0x3FB9];
	_ =	sdelay $0x3  }
0x33: {  	p0 =	seq.s32 s10, $0x1;
	s10 =	sld [smem:$0x3FBB];
	_ =	sdelay $0x3  }
0x34: {  	[smem:$0x3FBB] =	sst s10  }
0x35: {  	s10 =	sld [smem:$0x3FBA];
	_ =	sdelay $0x3  }
0x36: {  	p1 =	seq.s32 s10, $0x1;
	s10 =	sld [smem:$0x3FBB];
	_ =	sdelay $0x3  }
0x37: {  	[smem:$0x3FBB] =	sst s10  }
0x38: {  	s10 =	sld [smem:$0x3FBC]  }
0x39: {  	_ = 	snop;
	(pc) =	sbr.ind lr, $3  }
0x3a: {  	_ = 	snop  }
0x3b: {  	_ = 	snop  }
0x3c: {  	p2 =	seq.s32 s10, $0x1;
	s10 =	sld [smem:$0x3FBB]  }
0x3d: {  	_ =	shalt  }
0x3e: {  	_ =	shalt  }
0x3f: {  	_ =	shalt  }
0x40: {  	_ =	shalt  }
0x41: {  	_ =	shalt  }
0x42: {  	_ =	shalt  }
0x43: {  	_ =	shalt  }
0x44: {  	_ =	shalt  }
0x45: {  	_ =	shalt  }
0x46: {  	_ =	shalt  }
0x47: {  	_ =	shalt  }
0x48: {  	_ =	shalt  }
0x49: {  	_ =	shalt  }
0x4a: {  	_ =	shalt  }
0x4b: {  	_ =	shalt  }
0x4c: {  	_ =	shalt  }
0x4d: {  	_ =	shalt  }
0x4e: {  	_ =	shalt  }
0x4f: {  	_ =	shalt  }
0x50: {  	_ =	shalt  }
0x51: {  	_ =	shalt  }
0x52: {  	_ =	shalt  }
0x53: {  	_ =	shalt  }
0x54: {  	_ =	shalt  }
0x55: {  	_ =	shalt  }
0x56: {  	_ =	shalt  }
0x57: {  	_ =	shalt  }
0x58: {  	_ =	shalt  }
0x59: {  	_ =	shalt  }
0x5a: {  	_ =	shalt  }
0x5b: {  	_ =	shalt  }
0x5c: {  	_ =	shalt  }
0x5d: {  	_ =	shalt  }
0x5e: {  	_ =	shalt  }
0x5f: {  	_ =	shalt  }
0x60: {  	_ =	shalt  }
0x61: {  	_ =	shalt  }
0x62: {  	_ =	shalt  }
0x63: {  	_ =	shalt  }
0x64: {  	_ =	shalt  }
0x65: {  	_ =	shalt  }
0x66: {  	_ =	shalt  }
0x67: {  	_ =	shalt  }
0x68: {  	_ =	shalt  }
0x69: {  	_ =	shalt  }
0x6a: {  	_ =	shalt  }
0x6b: {  	_ =	shalt  }
0x6c: {  	_ =	shalt  }
0x6d: {  	_ =	shalt  }
0x6e: {  	_ =	shalt  }
0x6f: {  	_ =	shalt  }
0x70: {  	_ =	shalt  }
0x71: {  	_ =	shalt  }
0x72: {  	_ =	shalt  }
0x73: {  	_ =	shalt  }
0x74: {  	_ =	shalt  }
0x75: {  	_ =	shalt  }
0x76: {  	_ =	shalt  }
0x77: {  	_ =	shalt  }
0x78: {  	_ =	shalt  }
0x79: {  	_ =	shalt  }
0x7a: {  	_ =	shalt  }
0x7b: {  	_ =	shalt  }
0x7c: {  	_ =	shalt  }
0x7d: {  	_ =	shalt  }
0x7e: {  	_ =	shalt  }
0x7f: {  	_ =	shalt  }
0x80: {  	_ =	shalt  }
0x81: {  	_ =	shalt  }
0x82: {  	_ =	shalt  }
0x83: {  	_ =	shalt  }
0x84: {  	_ =	shalt  }
0x85: {  	_ =	shalt  }
0x86: {  	_ =	shalt  }
0x87: {  	_ =	shalt  }
.Lfunc_end0:
.L_simem_size_0:
called_computation_lowered:
.L_overlay_start_0:
0x88: {  	s0 =	sld [smem:$0x3FD9]  }
0x89: {  	s1 =	sld [smem:$0x3FFE];
	_ =	sdelay $0x3  }
0x8a: {  	s0 =	sadd.s32 s1, s0  }
0x8b: {  	[smem:$0x3FC7] =	sst s0  }
0x8c: {  	_ = 	snop  }
0x8d: {  	s0 =	sld [smem:$0x3FD0];
	_ =	sdelay $0x2  }
0x8e: {  	s13 =	simm.s32 $0xA;
	s2 =	simm.s32 $0x10  }
0x8f: {  	[smem:s2], [sflag:s13] =	dma.local [hbm:s0], $0x1  }
0x90: {  	_ =	swait.eq [sflag:s13], $0x1  }
0x91: {  	[sflag:s13] =	ssyncset.done $0x0  }
0x92: {  	s14 =	sld [smem:$0x11];
	[sflag:s13] =	ssyncadd.s32 $0xFFFFFFFF  }
0x93: {  	s15 =	sld [smem:$0x12];
	(tm) =	ssettm $0x1  }
0x94: {  	s16 =	sld [smem:$0x3FFB];
	_ =	sdelay $0x3  }
0x95: {  	_ =	strace s16  }
0x96: {  	s2 =	sld [smem:$0x3FFC];
	_ =	sdelay $0x3  }
0x97: {  	_ =	strace s2  }
0x98: {  	s2 =	sld [smem:$0x3FFD];
	_ =	sdelay $0x3  }
0x99: {  	_ =	strace s2  }
0x9a: {  	_ =	strace $0x8FFFFFFF  }
0x9b: {  	s17 =	sld [smem:$0x3FDB];
	_ =	sdelay $0x1  }
0x9c: {  	s3 =	simm.s32 $_scs_section_size  }
0x9d: {  	s4 =	simm.s32 $_size__tile_overlayer_lowered;
	s5 =	simm.s32 $_tile_overlayer_lowered  }
0x9e: {  	s20 =	simm.s32 $0x1BFF;
	s19 =	sshll.u32 s5, $0x1;
	s2 =	sadd.s32 s3, s17  }
0x9f: {  	s6 =	simm.s32 $0x0;
	s18 =	sshll.u32 s4, $0x1;
	s4 =	sadd.s32 s19, s2  }
0xa0: {  	[timem:s6], [sflag:s20] =	dma.local [hbm:s4], s18  }
0xa1: {  	_ =	swait.ge [sflag:s20], s18  }
0xa2: {  	s3 =	ssub.s32 $0x0, s18;
	[sflag:s20] =	ssyncset.done $0x0  }
0xa3: {  	[sflag:s20] =	ssyncadd.s32 s3;
	_ =	sdelay $0x1  }
0xa4: {  	s21 =	simm.s32 $0x1B8B  }
0xa5: {  	_ =	swait.ge [sflag:s21], $0x1  }
0xa6: {  	[sflag:s21] =	ssyncset.done $0x0  }
0xa7: {  	s23 =	simm.s32 $0x1B8E;
	s22 =	sld [smem:$0x3FFE];
	[sflag:s21] =	ssyncadd.s32 $0xFFFFFFFF  }
0xa8: {  	s24 =	simm.s32 $execute0_lowered;
	[smem:$0x3FD2] =	sst s23  }
0xa9: {  	s4 =	sshll.u32 s24, $0x1;
	_ =	strace $0x80000046;
	[dreg:$0x1] =	wrdreg $0xFFFFFFFF  }
0xaa: {  	s25 =	simm.s32 $_size_execute0_lowered;
	s2 =	sadd.s32 s2, s4;
	[dreg:$0x0] =	wrdreg $0x0  }
0xab: {  	s4 =	sshll.u32 s25, $0x1;
	[dreg:$0x2] =	wrdreg s2  }
0xac: {  	[dreg:$0x3] =	wrdreg s4  }
0xad: {  	[dreg:$0x4] =	wrdreg $0xC0  }
0xae: {  	_ =	task [dreg:s6], $0x5FFFF  }
0xaf: {  	[dreg:$0x1] =	wrdreg $0xFFFFFFFF  }
0xb0: {  	[dreg:$0x0] =	wrdreg $0x60  }
0xb1: {  	[dreg:$0x2] =	wrdreg s15  }
0xb2: {  	[dreg:$0x3] =	wrdreg s14  }
0xb3: {  	[dreg:$0x4] =	wrdreg s22  }
0xb4: {  	[dreg:$0x5] =	wrdreg $0x9  }
0xb5: {  	_ =	task.clear_ibuf [dreg:s6], $0x6FFFF;
	_ =	strace $0x90000046  }
0xb6: {  	s26 =	simm.s32 $0x9;
	_ =	strace $0x80000048  }
0xb7: {  	_ =	swait.ge [sflag:s26], $0x1  }
0xb8: {  	[sflag:s26] =	ssyncadd.s32 $0xFFFFFFFF  }
0xb9: {  	_ =	strace $0x90000048  }
0xba: {  	_ =	sfence  }
0xbb: {  	s28 =	sld [smem:$0x0];
	_ =	sdelay $0x1  }
0xbc: {  	s29 =	srdreg.scid  }
0xbd: {  	s30 =	sshll.u32 s29, $0xD;
	s31 =	sshrl.u32 s29, $0x2  }
0xbe: {  	s1 =	sand.u32 $0x1, s29;
	s2 =	sand.u32 $0x4000, s30;
	s0 =	sadd.s32 s31, s28  }
0xbf: {  	s1 =	sor.u32 s2, s1;
	s0 =	sshll.u32 s0, $0x11  }
0xc0: {  	s0 =	sor.u32 s0, s1  }
0xc1: {  	s0 =	sadd.s32 $0x8F2B, s0  }
0xc2: {  	[sflag:s0] =	ssyncadd.remote.s32 $0x1  }
0xc3: {  	_ =	sfence.sel $0xFFFF  }
0xc4: {  	[dreg:$0x0] =	wrdreg $0xFFFFFFFF;
	(pc) =	sbr.abs _section_cstart, $3  }
0xc5: {  	[dreg:$0x1] =	wrdreg $0xFFFFFFFF  }
0xc6: {  	_ =	task.clear_ibuf [dreg:s6], $0x2FFFF;
	_ =	strace $0x9FFFFFFF  }
0xc7: {  	(tm) =	ssettm $0x7FFFFFFF  }
tec
execute0_lowered:
.L_overlay_start_1:
0x0: {  	(tag) =	ssettag $0x1  }
0x1: {  	s0 =	rddreg [dreg:$0x0]  }
0x2: {  	s1 =	rddreg [dreg:$0x1]  }
0x3: {  	s2 =	rddreg [dreg:$0x2]  }
0x4: {  	s3 =	rddreg [dreg:$0x3];
	s4 =	simm.s32 $0x0;
	s5 =	stileid.u32  }
0x5: {  	[smem:$0x7FF] =	sst s4;
	s6 =	sshll.u32 s5, $0xB  }
0x6: {  	s28 =	simm.s32 $0x1;
	_ =	strace $0x80000047;
	s0 =	sadd.s32 s0, s6  }
0x7: {  	[tilespmem:s4], [sflag:$0x1] =	stream.linear.gather [hbm4b:s0+s4], $0x10, $0x38;
	[tilespmem:$0x5000] =	vst v63  }
0x8: {  	_ =	swait.ge [sflag:s28], $0x10  }
0x9: {  	s29 =	sshll.u32 s5, $0x9;
	[sflag:s28] =	ssyncset.done $0x0  }
0xa: {  	s1 =	sadd.s32 s1, s29;
	[sflag:s28] =	ssyncadd.s32 $0xFFFFFFF0  }
0xb: {  	[hbm4b:s1+s4] =	stream.linear.scatter [tilespmem:s4], [sflag:$0x1], $0x10, $0x38;
	[tilespmem:$0x5000] =	vst v63  }
0xc: {  	_ =	swait.ge [sflag:s28], $0x10  }
0xd: {  	s30 =	sadd.s32 s29, s2;
	[sflag:s28] =	ssyncset.done $0x0  }
0xe: {  	s31 =	simm.s32 $0x4000;
	s1 =	sadd.s32 $0x400, s30;
	[sflag:s28] =	ssyncadd.s32 $0xFFFFFFF0  }
0xf: {  	[hbm4b:s1+s4] =	stream.linear.scatter [tilespmem:s31], [sflag:$0x1], $0x10, $0x38;
	[tilespmem:$0x5000] =	vst v63  }
0x10: {  	_ =	swait.ge [sflag:s28], $0x10  }
0x11: {  	[sflag:s28] =	ssyncset.done $0x0  }
0x12: {  	[sflag:s28] =	ssyncadd.s32 $0xFFFFFFF0  }
0x13: {  	_ =	sfence.sel $0x180000  }
0x14: {  	[bflag:$0x0] =	sbarrier.arrive $0xFFFF  }
0x15: {  	p0 =	sne.s32 s5, $0x0;
	_ =	strace $0x90000047  }
0x16: {  	s0 =	sadd.s32 @!p0 $0x100000, s3;
	[bflag:$0x2] =	sbarrier.arrive $0xFFFF  }
0x17: {  	[sflag:s0] =	ssyncadd.tile.s32 @!p0 $0x1;
	_ =	shalt  }
.Lfunc_end2:
_tile_overlayer_lowered:
.L_overlay_start_2:
0x18: {  	(tag) =	ssettag $0x2  }
0x19: {  	s0 =	rddreg [dreg:$0x0];
	s2 =	stileid.u32  }
0x1a: {  	s1 =	rddreg [dreg:$0x1];
	p0 =	sne.s32 s2, $0x0  }
0x1b: {  	s3 =	rddreg [dreg:$0x2];
	[bflag:$0x3] =	sbarrier.arrive $0xFFFF;
	s2 =	simm.s32 @!p0 $0x1C01  }
0x1c: {  	[timem:s3], [sflag:s2] =	dma.local @!p0 [hbm:s0], s1  }
0x1d: {  	s0 =	simm.s32 @!p0 $0x1  }
0x1e: {  	_ =	swait.ge @!p0 [sflag:s0], s1  }
0x1f: {  	s1 =	ssub.s32 @!p0 $0x0, s1;
	[sflag:s0] =	ssyncset.done @!p0 $0x0  }
0x20: {  	[sflag:s0] =	ssyncadd.s32 @!p0 s1  }
0x21: {  	[bflag:$0x3] =	sbarrier.arrive $0xFFFF  }
0x22: {  	_ =	shalt  }

</sc_bundles>
